<compile_context>
chip_gen: v7x
topology: tpu7x:2x2x1
jax: 0.10.2.dev20260603
libtpu: 0.0.44.dev20260713+nightly
codegen_flags: <defaults>
</compile_context>

<pallas_src>
import jax
import jax.numpy as jnp
from jax.experimental import pallas as pl
from jax.experimental.pallas import tpu as pltpu
from jax.experimental.pallas import tpu_sc as plsc

_WINDOW = 800


def _gather_call(pe, idx2d):
    num_indices = idx2d.shape[1]
    d_model = pe.shape[1]
    mesh = plsc.VectorSubcoreMesh(core_axis_name="core",
                                  subcore_axis_name="subcore")

    @pl.kernel(
        out_type=jax.ShapeDtypeStruct((num_indices, d_model), pe.dtype),
        mesh=mesh,
        compiler_params=pltpu.CompilerParams(use_tc_tiling_on_sc=False),
    )
    def _kernel(pe_hbm, i_hbm, o_hbm):
        def body(i_vmem, o_vmem):
            pltpu.sync_copy(pe_hbm.at[i_vmem.at[0]], o_vmem)

        pltpu.emit_pipeline(
            body,
            grid=(num_indices // _WINDOW,),
            in_specs=[pl.BlockSpec((1, _WINDOW), index_map=lambda i: (0, i))],
            out_specs=[pl.BlockSpec((_WINDOW, d_model),
                                    index_map=lambda i: (i, 0))],
            core_axis_name=("core", "subcore"),
            dimension_semantics=(pltpu.PARALLEL,),
        )(i_hbm, o_hbm)

    return _kernel(pe, idx2d)


def kernel(x, pe):
    b0, b1 = x.shape
    idx2d = x.reshape(1, b0 * b1).astype(jnp.int32)
    out = _gather_call(pe, idx2d)
    return out.reshape(b0, b1, pe.shape[1])

# --- scband reference (transcript-rebuilt; emitter-appended) ---
"""Pipeline reference for scband-positional-encoding-32203664785600 (READ-ONLY COPY).

The authoritative reference and input builder live on the scoring server;
editing this copy changes nothing except your own understanding.
"""

import math
import jax, jax.numpy as jnp
import numpy as np


def _build_pe(max_len, d_model):
    position = jnp.arange(max_len, dtype=jnp.float32)[:, None]
    div_term = jnp.exp(jnp.arange(0, d_model, 2, dtype=jnp.float32) * (-math.log(10000.0) / d_model))
    pe = jnp.zeros((max_len, d_model), dtype=jnp.float32)
    pe = pe.at[:, 0::2].set(jnp.sin(position * div_term))
    pe = pe.at[:, 1::2].set(jnp.cos(position * div_term))
    return pe


def setup_inputs(seed: int = 0) -> dict:
    key = jax.random.key(seed)
    d_model = 64
    max_len = 8192
    pe = _build_pe(max_len, d_model)
    x = jax.random.randint(key, (4096, 200), 0, max_len)
    return {"x": x, "pe": pe}


def reference(x, pe):
    # Faithful translation of PositionalEncoding.forward: pe[x]
    return jnp.take(pe, x, axis=0)

if __name__ == "__main__":
    import jax
    _d = setup_inputs()
    print(jax.jit(kernel)(*tuple(_d.values())))

</pallas_src>

<mosaic_0001>
#map = affine_map<(d0, d1) -> (0, 0)>
module attributes {stable_mosaic.version = 14 : i64} {
  func.func @_kernel(%arg0: i32, %arg1: i32, %arg2: memref<8192x64xf32, #tpu.memory_space<hbm>>, %arg3: memref<1x819200xi32, #tpu.memory_space<hbm>>, %arg4: memref<819200x64xf32, #tpu.memory_space<hbm>>) attributes {dimension_semantics = [#tpu.dimension_semantics<core_parallel>, #tpu.dimension_semantics<subcore_parallel>], iteration_bounds = array<i64: 2, 16>, scalar_prefetch = 0 : i64, scratch_operands = 0 : i64, tpu.core_type = #tpu.core_type<sc_vector_subcore>, window_params = [{transform_indices = #map}, {transform_indices = #map}, {transform_indices = #map}]} {
    %mul3A = arith.constant 1 : i32
    %mul3A_0 = arith.muli %arg1, %mul3A : i32
    %add3A = arith.constant 0 : i32
    %add3A_1 = arith.addi %add3A, %mul3A_0 : i32
    %mul3A_2 = arith.constant 16 : i32
    %mul3A_3 = arith.muli %arg0, %mul3A_2 : i32
    %add3A_4 = arith.addi %add3A_1, %mul3A_3 : i32
    %mul3A_5 = arith.constant 32 : i32
    %mul3A_6 = arith.muli %add3A_4, %mul3A_5 : i32
    "tpu.region"() ({
      %run_scoped3A = memref.alloca() : memref<2x1x800xi32, #tpu.memory_space<vmem>>
      %run_scoped3A_7 = tpu.sem_alloc : memref<2x!tpu.dma_semaphore, #tpu.memory_space<semaphore_mem>>
      %run_scoped3A_8 = memref.alloca() : memref<2x800x64xf32, #tpu.memory_space<vmem>>
      %run_scoped3A_9 = tpu.sem_alloc : memref<2x!tpu.dma_semaphore, #tpu.memory_space<semaphore_mem>>
      %add3A_10 = arith.constant 0 : i32
      %add3A_11 = arith.addi %add3A_10, %mul3A_6 : i32
      %select_n3A = arith.constant true
      %select_n3A_12 = arith.constant 0 : i32
      %select_n3A_13 = arith.constant -1 : i32
      %select_n3A_14 = arith.select %select_n3A, %select_n3A_13, %select_n3A_12 : i32
      %eq3A = arith.constant -1 : i32
      %eq3A_15 = arith.cmpi eq, %select_n3A_14, %eq3A : i32
      %select_n3A_16 = arith.constant 31 : i32
      %select_n3A_17 = arith.select %eq3A_15, %select_n3A_16, %select_n3A_14 : i32
      %add3A_18 = arith.addi %select_n3A_17, %mul3A_6 : i32
      %select_n3A_19 = arith.constant true
      %select_n3A_20 = arith.constant 0 : i32
      %select_n3A_21 = arith.constant 1 : i32
      %select_n3A_22 = arith.select %select_n3A_19, %select_n3A_21, %select_n3A_20 : i32
      %eq3A_23 = arith.constant 32 : i32
      %eq3A_24 = arith.cmpi eq, %select_n3A_22, %eq3A_23 : i32
      %select_n3A_25 = arith.constant 0 : i32
      %select_n3A_26 = arith.select %eq3A_24, %select_n3A_25, %select_n3A_22 : i32
      %add3A_27 = arith.addi %select_n3A_26, %mul3A_6 : i32
      %add3A_28 = arith.constant 1 : i32
      %add3A_29 = arith.addi %select_n3A_26, %add3A_28 : i32
      %select_n3A_30 = arith.constant true
      %select_n3A_31 = arith.select %select_n3A_30, %add3A_29, %select_n3A_26 : i32
      %eq3A_32 = arith.constant 32 : i32
      %eq3A_33 = arith.cmpi eq, %select_n3A_31, %eq3A_32 : i32
      %select_n3A_34 = arith.constant 0 : i32
      %select_n3A_35 = arith.select %eq3A_33, %select_n3A_34, %select_n3A_31 : i32
      %add3A_36 = arith.addi %select_n3A_35, %mul3A_6 : i32
      "tpu.trace_start"() <{level = 10 : i32, message = "ep_initialize_0"}> : () -> ()
      %rem3A = arith.constant 0 : i32
      %rem3A_37 = arith.constant 2 : i32
      %rem3A_38 = arith.remui %rem3A, %rem3A_37 : i32
      %mul3A_39 = arith.constant 800 : i32
      %mul3A_40 = arith.muli %mul3A_39, %add3A_11 : i32
      %dma_start3A = arith.constant 0 : i32
      %dma_start3A_41 = arith.constant 0 : i32
      %dma_start3A_42 = tpu.memref_slice %run_scoped3A[%rem3A_38, %dma_start3A, %dma_start3A_41] : memref<2x1x800xi32, #tpu.memory_space<vmem>> -> memref<1x1x800xi32, #tpu.memory_space<vmem>>
      %dma_start3A_43 = tpu.memref_squeeze %dma_start3A_42 : memref<1x1x800xi32, #tpu.memory_space<vmem>> -> memref<1x800xi32, #tpu.memory_space<vmem>>
      %dma_start3A_44 = arith.constant 0 : i32
      %dma_start3A_45 = tpu.memref_slice %arg3[%dma_start3A_44, %mul3A_40] : memref<1x819200xi32, #tpu.memory_space<hbm>> -> memref<1x800xi32, #tpu.memory_space<hbm>>
      %dma_start3A_46 = tpu.memref_slice %run_scoped3A_7[%rem3A_38] : memref<2x!tpu.dma_semaphore, #tpu.memory_space<semaphore_mem>> -> memref<1x!tpu.dma_semaphore, #tpu.memory_space<semaphore_mem>>
      %dma_start3A_47 = tpu.memref_squeeze %dma_start3A_46 : memref<1x!tpu.dma_semaphore, #tpu.memory_space<semaphore_mem>> -> memref<!tpu.dma_semaphore, #tpu.memory_space<semaphore_mem>>
      %dma_start3A_48 = arith.constant 0 : i32
      %dma_start3A_49 = arith.constant 0 : i32
      %dma_start3A_50 = tpu.memref_slice %run_scoped3A[%rem3A_38, %dma_start3A_48, %dma_start3A_49] : memref<2x1x800xi32, #tpu.memory_space<vmem>> -> memref<1x1x800xi32, #tpu.memory_space<vmem>>
      %dma_start3A_51 = tpu.memref_squeeze %dma_start3A_50 : memref<1x1x800xi32, #tpu.memory_space<vmem>> -> memref<1x800xi32, #tpu.memory_space<vmem>>
      %dma_start3A_52 = arith.constant 0 : i32
      %dma_start3A_53 = tpu.memref_slice %arg3[%dma_start3A_52, %mul3A_40] : memref<1x819200xi32, #tpu.memory_space<hbm>> -> memref<1x800xi32, #tpu.memory_space<hbm>>
      tpu.enqueue_dma source(%dma_start3A_53 : memref<1x800xi32, #tpu.memory_space<hbm>>) target(%dma_start3A_51 : memref<1x800xi32, #tpu.memory_space<vmem>>) target_semaphore(%dma_start3A_47 : memref<!tpu.dma_semaphore, #tpu.memory_space<semaphore_mem>>)
      %add3A_54 = arith.constant 0 : i32
      %add3A_55 = arith.constant 1 : i32
      %add3A_56 = arith.addi %add3A_54, %add3A_55 : i32
      %select_n3A_57 = arith.constant true
      %select_n3A_58 = arith.constant 0 : i32
      %select_n3A_59 = arith.select %select_n3A_57, %add3A_56, %select_n3A_58 : i32
      "tpu.trace_stop"() : () -> ()
      %scan3A = arith.constant 0 : i32
      %scan3A_60 = arith.constant 0 : i32
      %scan3A_61 = arith.constant 0 : i32
      %scan3A_62 = arith.constant 0 : i32
      %scan3A_63 = arith.constant 0 : i32
      %scan3A_64 = arith.constant 32 : i32
      %scan3A_65 = arith.addi %scan3A_63, %scan3A_64 : i32
      %scan3A_66 = arith.constant 1 : i32
      %scan3A_67:5 = scf.for %scan3A_121 = %scan3A_63 to %scan3A_65 step %scan3A_66 iter_args(%scan3A_122 = %select_n3A_59, %scan3A_123 = %scan3A, %scan3A_124 = %scan3A_60, %scan3A_125 = %scan3A_61, %scan3A_126 = %scan3A_62) -> (i32, i32, i32, i32, i32)  : i32 {
        %eq3A_127 = arith.constant 0 : i32
        %eq3A_128 = arith.cmpi eq, %scan3A_121, %eq3A_127 : i32
        %eq3A_129 = arith.constant 31 : i32
        %eq3A_130 = arith.cmpi eq, %scan3A_121, %eq3A_129 : i32
        %add3A_131 = arith.addi %scan3A_126, %mul3A_6 : i32
        %sub3A_132 = arith.constant 1 : i32
        %sub3A_133 = arith.subi %scan3A_126, %sub3A_132 : i32
        %select_n3A_134 = arith.constant true
        %select_n3A_135 = arith.select %select_n3A_134, %sub3A_133, %scan3A_126 : i32
        %eq3A_136 = arith.constant -1 : i32
        %eq3A_137 = arith.cmpi eq, %select_n3A_135, %eq3A_136 : i32
        %select_n3A_138 = arith.constant 31 : i32
        %select_n3A_139 = arith.select %eq3A_137, %select_n3A_138, %select_n3A_135 : i32
        %add3A_140 = arith.addi %select_n3A_139, %mul3A_6 : i32
        %add3A_141 = arith.constant 1 : i32
        %add3A_142 = arith.addi %scan3A_126, %add3A_141 : i32
        %select_n3A_143 = arith.constant true
        %select_n3A_144 = arith.select %select_n3A_143, %add3A_142, %scan3A_126 : i32
        %eq3A_145 = arith.constant 32 : i32
        %eq3A_146 = arith.cmpi eq, %select_n3A_144, %eq3A_145 : i32
        %select_n3A_147 = arith.constant 0 : i32
        %select_n3A_148 = arith.select %eq3A_146, %select_n3A_147, %select_n3A_144 : i32
        %add3A_149 = arith.addi %select_n3A_148, %mul3A_6 : i32
        %add3A_150 = arith.constant 1 : i32
        %add3A_151 = arith.addi %select_n3A_148, %add3A_150 : i32
        %select_n3A_152 = arith.constant true
        %select_n3A_153 = arith.select %select_n3A_152, %add3A_151, %select_n3A_148 : i32
        %eq3A_154 = arith.constant 32 : i32
        %eq3A_155 = arith.cmpi eq, %select_n3A_153, %eq3A_154 : i32
        %select_n3A_156 = arith.constant 0 : i32
        %select_n3A_157 = arith.select %eq3A_155, %select_n3A_156, %select_n3A_153 : i32
        %add3A_158 = arith.addi %select_n3A_157, %mul3A_6 : i32
        %ne3A = arith.cmpi ne, %add3A_131, %add3A_149 : i32
        %or3A = arith.constant false
        %or3A_159 = arith.ori %or3A, %ne3A : i1
        %ge3A = arith.constant 31 : i32
        %ge3A_160 = arith.cmpi sge, %scan3A_121, %ge3A : i32
        %not3A = arith.constant true
        %not3A_161 = arith.xori %ge3A_160, %not3A : i1
        %and3A = arith.andi %or3A_159, %not3A_161 : i1
        %convert_element_type3A = arith.extui %and3A : i1 to i32
        %cond3A = arith.constant 0 : i32
        %cond3A_162 = arith.cmpi ne, %convert_element_type3A, %cond3A : i32
        scf.if %cond3A_162 {
          "tpu.trace_start"() <{level = 10 : i32, message = "ep_copy_in"}> : () -> ()
          %rem3A_264 = arith.constant 2 : i32
          %rem3A_265 = arith.remui %scan3A_122, %rem3A_264 : i32
          %mul3A_266 = arith.constant 800 : i32
          %mul3A_267 = arith.muli %mul3A_266, %add3A_149 : i32
          %dma_start3A_268 = arith.constant 0 : i32
          %dma_start3A_269 = arith.constant 0 : i32
          %dma_start3A_270 = tpu.memref_slice %run_scoped3A[%rem3A_265, %dma_start3A_268, %dma_start3A_269] : memref<2x1x800xi32, #tpu.memory_space<vmem>> -> memref<1x1x800xi32, #tpu.memory_space<vmem>>
          %dma_start3A_271 = tpu.memref_squeeze %dma_start3A_270 : memref<1x1x800xi32, #tpu.memory_space<vmem>> -> memref<1x800xi32, #tpu.memory_space<vmem>>
          %dma_start3A_272 = arith.constant 0 : i32
          %dma_start3A_273 = tpu.memref_slice %arg3[%dma_start3A_272, %mul3A_267] : memref<1x819200xi32, #tpu.memory_space<hbm>> -> memref<1x800xi32, #tpu.memory_space<hbm>>
          %dma_start3A_274 = tpu.memref_slice %run_scoped3A_7[%rem3A_265] : memref<2x!tpu.dma_semaphore, #tpu.memory_space<semaphore_mem>> -> memref<1x!tpu.dma_semaphore, #tpu.memory_space<semaphore_mem>>
          %dma_start3A_275 = tpu.memref_squeeze %dma_start3A_274 : memref<1x!tpu.dma_semaphore, #tpu.memory_space<semaphore_mem>> -> memref<!tpu.dma_semaphore, #tpu.memory_space<semaphore_mem>>
          %dma_start3A_276 = arith.constant 0 : i32
          %dma_start3A_277 = arith.constant 0 : i32
          %dma_start3A_278 = tpu.memref_slice %run_scoped3A[%rem3A_265, %dma_start3A_276, %dma_start3A_277] : memref<2x1x800xi32, #tpu.memory_space<vmem>> -> memref<1x1x800xi32, #tpu.memory_space<vmem>>
          %dma_start3A_279 = tpu.memref_squeeze %dma_start3A_278 : memref<1x1x800xi32, #tpu.memory_space<vmem>> -> memref<1x800xi32, #tpu.memory_space<vmem>>
          %dma_start3A_280 = arith.constant 0 : i32
          %dma_start3A_281 = tpu.memref_slice %arg3[%dma_start3A_280, %mul3A_267] : memref<1x819200xi32, #tpu.memory_space<hbm>> -> memref<1x800xi32, #tpu.memory_space<hbm>>
          tpu.enqueue_dma source(%dma_start3A_281 : memref<1x800xi32, #tpu.memory_space<hbm>>) target(%dma_start3A_279 : memref<1x800xi32, #tpu.memory_space<vmem>>) target_semaphore(%dma_start3A_275 : memref<!tpu.dma_semaphore, #tpu.memory_space<semaphore_mem>>)
          "tpu.trace_stop"() : () -> ()
        } else {
        }
        %and3A_163 = arith.constant true
        %and3A_164 = arith.andi %and3A, %and3A_163 : i1
        %add3A_165 = arith.constant 1 : i32
        %add3A_166 = arith.addi %scan3A_122, %add3A_165 : i32
        %select_n3A_167 = arith.select %and3A_164, %add3A_166, %scan3A_122 : i32
        %ne3A_168 = arith.cmpi ne, %add3A_131, %add3A_149 : i32
        %or3A_169 = arith.constant false
        %or3A_170 = arith.ori %or3A_169, %ne3A_168 : i1
        %or3A_171 = arith.constant false
        %or3A_172 = arith.ori %or3A_170, %or3A_171 : i1
        %ge3A_173 = arith.constant 31 : i32
        %ge3A_174 = arith.cmpi sge, %scan3A_121, %ge3A_173 : i32
        %not3A_175 = arith.constant true
        %not3A_176 = arith.xori %ge3A_174, %not3A_175 : i1
        %and3A_177 = arith.andi %or3A_172, %not3A_176 : i1
        %ne3A_178 = arith.cmpi ne, %add3A_131, %add3A_140 : i32
        %or3A_179 = arith.constant false
        %or3A_180 = arith.ori %or3A_179, %ne3A_178 : i1
        %or3A_181 = arith.ori %or3A_180, %eq3A_128 : i1
        %convert_element_type3A_182 = arith.extui %or3A_181 : i1 to i32
        %cond3A_183 = arith.constant 0 : i32
        %cond3A_184 = arith.cmpi ne, %convert_element_type3A_182, %cond3A_183 : i32
        scf.if %cond3A_184 {
          "tpu.trace_start"() <{level = 10 : i32, message = "ep_wait_in"}> : () -> ()
          %mul3A_264 = arith.constant 800 : i32
          %mul3A_265 = arith.muli %mul3A_264, %add3A_131 : i32
          %rem3A_266 = arith.constant 2 : i32
          %rem3A_267 = arith.remui %scan3A_123, %rem3A_266 : i32
          %dma_wait3A_268 = arith.constant 0 : i32
          %dma_wait3A_269 = arith.constant 0 : i32
          %dma_wait3A_270 = tpu.memref_slice %run_scoped3A[%rem3A_267, %dma_wait3A_268, %dma_wait3A_269] : memref<2x1x800xi32, #tpu.memory_space<vmem>> -> memref<1x1x800xi32, #tpu.memory_space<vmem>>
          %dma_wait3A_271 = tpu.memref_squeeze %dma_wait3A_270 : memref<1x1x800xi32, #tpu.memory_space<vmem>> -> memref<1x800xi32, #tpu.memory_space<vmem>>
          %dma_wait3A_272 = arith.constant 0 : i32
          %dma_wait3A_273 = tpu.memref_slice %arg3[%dma_wait3A_272, %mul3A_265] : memref<1x819200xi32, #tpu.memory_space<hbm>> -> memref<1x800xi32, #tpu.memory_space<hbm>>
          %dma_wait3A_274 = tpu.memref_slice %run_scoped3A_7[%rem3A_267] : memref<2x!tpu.dma_semaphore, #tpu.memory_space<semaphore_mem>> -> memref<1x!tpu.dma_semaphore, #tpu.memory_space<semaphore_mem>>
          %dma_wait3A_275 = tpu.memref_squeeze %dma_wait3A_274 : memref<1x!tpu.dma_semaphore, #tpu.memory_space<semaphore_mem>> -> memref<!tpu.dma_semaphore, #tpu.memory_space<semaphore_mem>>
          %dma_wait3A_276 = arith.constant 0 : i32
          %dma_wait3A_277 = arith.constant 0 : i32
          %dma_wait3A_278 = tpu.memref_slice %run_scoped3A[%rem3A_267, %dma_wait3A_276, %dma_wait3A_277] : memref<2x1x800xi32, #tpu.memory_space<vmem>> -> memref<1x1x800xi32, #tpu.memory_space<vmem>>
          %dma_wait3A_279 = tpu.memref_squeeze %dma_wait3A_278 : memref<1x1x800xi32, #tpu.memory_space<vmem>> -> memref<1x800xi32, #tpu.memory_space<vmem>>
          %dma_wait3A_280 = arith.constant 0 : i32
          %dma_wait3A_281 = tpu.memref_slice %arg3[%dma_wait3A_280, %mul3A_265] : memref<1x819200xi32, #tpu.memory_space<hbm>> -> memref<1x800xi32, #tpu.memory_space<hbm>>
          tpu.wait_dma2 semaphore(%dma_wait3A_275 : memref<!tpu.dma_semaphore, #tpu.memory_space<semaphore_mem>>) src(%dma_wait3A_281 : memref<1x800xi32, #tpu.memory_space<hbm>>) dst(%dma_wait3A_279 : memref<1x800xi32, #tpu.memory_space<vmem>>)
          "tpu.trace_stop"() : () -> ()
        } else {
        }
        %ne3A_185 = arith.cmpi ne, %add3A_131, %add3A_140 : i32
        %or3A_186 = arith.constant false
        %or3A_187 = arith.ori %or3A_186, %ne3A_185 : i1
        %or3A_188 = arith.constant false
        %or3A_189 = arith.ori %or3A_187, %or3A_188 : i1
        %or3A_190 = arith.ori %or3A_189, %eq3A_128 : i1
        %convert_element_type3A_191 = arith.extui %or3A_190 : i1 to i32
        %cond3A_192 = arith.constant 0 : i32
        %cond3A_193 = arith.cmpi ne, %convert_element_type3A_191, %cond3A_192 : i32
        scf.if %cond3A_193 {
        } else {
        }
        %rem3A_194 = arith.constant 2 : i32
        %rem3A_195 = arith.remui %scan3A_123, %rem3A_194 : i32
        %rem3A_196 = arith.constant 2 : i32
        %rem3A_197 = arith.remui %scan3A_124, %rem3A_196 : i32
        %run_scoped3A_198 = arith.constant 0 : i32
        "tpu.trace_start"() <{level = 10 : i32, message = "ep_run_kernel"}> : () -> ()
        "tpu.region"() ({
          %run_scoped3A_264 = tpu.sem_alloc : memref<!tpu.dma_semaphore, #tpu.memory_space<semaphore_mem>>
          %dma_start3A_265 = arith.constant 0 : i32
          %dma_start3A_266 = arith.constant 0 : i32
          %dma_start3A_267 = tpu.memref_slice %run_scoped3A_8[%rem3A_197, %dma_start3A_265, %dma_start3A_266] : memref<2x800x64xf32, #tpu.memory_space<vmem>> -> memref<1x800x64xf32, #tpu.memory_space<vmem>>
          %dma_start3A_268 = tpu.memref_squeeze %dma_start3A_267 : memref<1x800x64xf32, #tpu.memory_space<vmem>> -> memref<800x64xf32, #tpu.memory_space<vmem>>
          %dma_start3A_269 = arith.constant 0 : i32
          %dma_start3A_270 = arith.constant 0 : i32
          %dma_start3A_271 = tpu.memref_slice %run_scoped3A[%rem3A_195, %dma_start3A_269, %dma_start3A_270] : memref<2x1x800xi32, #tpu.memory_space<vmem>> -> memref<1x1x800xi32, #tpu.memory_space<vmem>>
          %dma_start3A_272 = tpu.memref_squeeze %dma_start3A_271 : memref<1x1x800xi32, #tpu.memory_space<vmem>> -> memref<1x800xi32, #tpu.memory_space<vmem>>
          %dma_start3A_273 = arith.constant 0 : i32
          %dma_start3A_274 = tpu.memref_slice %dma_start3A_272[%run_scoped3A_198, %dma_start3A_273] : memref<1x800xi32, #tpu.memory_space<vmem>> -> memref<1x800xi32, #tpu.memory_space<vmem>>
          %dma_start3A_275 = tpu.memref_squeeze %dma_start3A_274 : memref<1x800xi32, #tpu.memory_space<vmem>> -> memref<800xi32, #tpu.memory_space<vmem>>
          %dma_start3A_276 = arith.constant 0 : i32
          %dma_start3A_277 = arith.constant 0 : i32
          %dma_start3A_278 = tpu.memref_slice %arg2[%dma_start3A_276, %dma_start3A_277] : memref<8192x64xf32, #tpu.memory_space<hbm>> -> memref<8192x64xf32, #tpu.memory_space<hbm>>
          tpu.enqueue_indirect_dma source(%dma_start3A_278 : memref<8192x64xf32, #tpu.memory_space<hbm>>) target(%dma_start3A_268 : memref<800x64xf32, #tpu.memory_space<vmem>>) offsets(%dma_start3A_275 : memref<800xi32, #tpu.memory_space<vmem>>) semaphore(%run_scoped3A_264 : memref<!tpu.dma_semaphore, #tpu.memory_space<semaphore_mem>>)
          %dma_wait3A_279 = arith.constant 0 : i32
          %dma_wait3A_280 = arith.constant 0 : i32
          %dma_wait3A_281 = tpu.memref_slice %run_scoped3A_8[%rem3A_197, %dma_wait3A_279, %dma_wait3A_280] : memref<2x800x64xf32, #tpu.memory_space<vmem>> -> memref<1x800x64xf32, #tpu.memory_space<vmem>>
          %dma_wait3A_282 = tpu.memref_squeeze %dma_wait3A_281 : memref<1x800x64xf32, #tpu.memory_space<vmem>> -> memref<800x64xf32, #tpu.memory_space<vmem>>
          %dma_wait3A_283 = arith.constant 0 : i32
          %dma_wait3A_284 = arith.constant 0 : i32
          %dma_wait3A_285 = tpu.memref_slice %run_scoped3A[%rem3A_195, %dma_wait3A_283, %dma_wait3A_284] : memref<2x1x800xi32, #tpu.memory_space<vmem>> -> memref<1x1x800xi32, #tpu.memory_space<vmem>>
          %dma_wait3A_286 = tpu.memref_squeeze %dma_wait3A_285 : memref<1x1x800xi32, #tpu.memory_space<vmem>> -> memref<1x800xi32, #tpu.memory_space<vmem>>
          %dma_wait3A_287 = arith.constant 0 : i32
          %dma_wait3A_288 = tpu.memref_slice %dma_wait3A_286[%run_scoped3A_198, %dma_wait3A_287] : memref<1x800xi32, #tpu.memory_space<vmem>> -> memref<1x800xi32, #tpu.memory_space<vmem>>
          %dma_wait3A_289 = tpu.memref_squeeze %dma_wait3A_288 : memref<1x800xi32, #tpu.memory_space<vmem>> -> memref<800xi32, #tpu.memory_space<vmem>>
          %dma_wait3A_290 = arith.constant 0 : i32
          %dma_wait3A_291 = arith.constant 0 : i32
          %dma_wait3A_292 = tpu.memref_slice %arg2[%dma_wait3A_290, %dma_wait3A_291] : memref<8192x64xf32, #tpu.memory_space<hbm>> -> memref<8192x64xf32, #tpu.memory_space<hbm>>
          tpu.wait_indirect_dma semaphore(%run_scoped3A_264 : memref<!tpu.dma_semaphore, #tpu.memory_space<semaphore_mem>>) src(%dma_wait3A_292 : memref<8192x64xf32, #tpu.memory_space<hbm>>) dst(%dma_wait3A_282 : memref<800x64xf32, #tpu.memory_space<vmem>>)
          tpu.yield
        }) : () -> ()
        "tpu.trace_stop"() : () -> ()
        %ne3A_199 = arith.cmpi ne, %add3A_131, %add3A_149 : i32
        %or3A_200 = arith.constant false
        %or3A_201 = arith.ori %or3A_200, %ne3A_199 : i1
        %or3A_202 = arith.ori %or3A_201, %eq3A_130 : i1
        %convert_element_type3A_203 = arith.extui %or3A_202 : i1 to i32
        %cond3A_204 = arith.constant 0 : i32
        %cond3A_205 = arith.cmpi ne, %convert_element_type3A_203, %cond3A_204 : i32
        scf.if %cond3A_205 {
        } else {
        }
        %and3A_206 = arith.constant false
        %and3A_207 = arith.andi %or3A_202, %and3A_206 : i1
        %ne3A_208 = arith.cmpi ne, %add3A_131, %add3A_149 : i32
        %or3A_209 = arith.constant false
        %or3A_210 = arith.ori %or3A_209, %ne3A_208 : i1
        %or3A_211 = arith.constant false
        %or3A_212 = arith.ori %or3A_210, %or3A_211 : i1
        %or3A_213 = arith.ori %or3A_212, %eq3A_130 : i1
        %convert_element_type3A_214 = arith.extui %or3A_213 : i1 to i32
        %cond3A_215 = arith.constant 0 : i32
        %cond3A_216 = arith.cmpi ne, %convert_element_type3A_214, %cond3A_215 : i32
        scf.if %cond3A_216 {
          "tpu.trace_start"() <{level = 10 : i32, message = "ep_copy_out"}> : () -> ()
          %rem3A_264 = arith.constant 2 : i32
          %rem3A_265 = arith.remui %scan3A_124, %rem3A_264 : i32
          %mul3A_266 = arith.constant 800 : i32
          %mul3A_267 = arith.muli %mul3A_266, %add3A_131 : i32
          %dma_start3A_268 = arith.constant 0 : i32
          %dma_start3A_269 = arith.constant 0 : i32
          %dma_start3A_270 = tpu.memref_slice %run_scoped3A_8[%rem3A_265, %dma_start3A_268, %dma_start3A_269] : memref<2x800x64xf32, #tpu.memory_space<vmem>> -> memref<1x800x64xf32, #tpu.memory_space<vmem>>
          %dma_start3A_271 = tpu.memref_squeeze %dma_start3A_270 : memref<1x800x64xf32, #tpu.memory_space<vmem>> -> memref<800x64xf32, #tpu.memory_space<vmem>>
          %dma_start3A_272 = arith.constant 0 : i32
          %dma_start3A_273 = tpu.memref_slice %arg4[%mul3A_267, %dma_start3A_272] : memref<819200x64xf32, #tpu.memory_space<hbm>> -> memref<800x64xf32, #tpu.memory_space<hbm>>
          %dma_start3A_274 = tpu.memref_slice %run_scoped3A_9[%rem3A_265] : memref<2x!tpu.dma_semaphore, #tpu.memory_space<semaphore_mem>> -> memref<1x!tpu.dma_semaphore, #tpu.memory_space<semaphore_mem>>
          %dma_start3A_275 = tpu.memref_squeeze %dma_start3A_274 : memref<1x!tpu.dma_semaphore, #tpu.memory_space<semaphore_mem>> -> memref<!tpu.dma_semaphore, #tpu.memory_space<semaphore_mem>>
          %dma_start3A_276 = arith.constant 0 : i32
          %dma_start3A_277 = tpu.memref_slice %arg4[%mul3A_267, %dma_start3A_276] : memref<819200x64xf32, #tpu.memory_space<hbm>> -> memref<800x64xf32, #tpu.memory_space<hbm>>
          %dma_start3A_278 = arith.constant 0 : i32
          %dma_start3A_279 = arith.constant 0 : i32
          %dma_start3A_280 = tpu.memref_slice %run_scoped3A_8[%rem3A_265, %dma_start3A_278, %dma_start3A_279] : memref<2x800x64xf32, #tpu.memory_space<vmem>> -> memref<1x800x64xf32, #tpu.memory_space<vmem>>
          %dma_start3A_281 = tpu.memref_squeeze %dma_start3A_280 : memref<1x800x64xf32, #tpu.memory_space<vmem>> -> memref<800x64xf32, #tpu.memory_space<vmem>>
          tpu.enqueue_dma source(%dma_start3A_281 : memref<800x64xf32, #tpu.memory_space<vmem>>) target(%dma_start3A_277 : memref<800x64xf32, #tpu.memory_space<hbm>>) target_semaphore(%dma_start3A_275 : memref<!tpu.dma_semaphore, #tpu.memory_space<semaphore_mem>>)
          "tpu.trace_stop"() : () -> ()
        } else {
        }
        %and3A_217 = arith.constant true
        %and3A_218 = arith.andi %or3A_213, %and3A_217 : i1
        %add3A_219 = arith.constant 1 : i32
        %add3A_220 = arith.addi %scan3A_124, %add3A_219 : i32
        %select_n3A_221 = arith.select %and3A_218, %add3A_220, %scan3A_124 : i32
        %ne3A_222 = arith.cmpi ne, %add3A_131, %add3A_140 : i32
        %or3A_223 = arith.constant false
        %or3A_224 = arith.ori %or3A_223, %ne3A_222 : i1
        %not3A_225 = arith.constant true
        %not3A_226 = arith.xori %eq3A_128, %not3A_225 : i1
        %and3A_227 = arith.andi %or3A_224, %not3A_226 : i1
        %convert_element_type3A_228 = arith.extui %and3A_227 : i1 to i32
        %cond3A_229 = arith.constant 0 : i32
        %cond3A_230 = arith.cmpi ne, %convert_element_type3A_228, %cond3A_229 : i32
        scf.if %cond3A_230 {
        } else {
        }
        %and3A_231 = arith.constant false
        %and3A_232 = arith.andi %and3A_227, %and3A_231 : i1
        %ne3A_233 = arith.cmpi ne, %add3A_131, %add3A_140 : i32
        %or3A_234 = arith.constant false
        %or3A_235 = arith.ori %or3A_234, %ne3A_233 : i1
        %or3A_236 = arith.constant false
        %or3A_237 = arith.ori %or3A_235, %or3A_236 : i1
        %not3A_238 = arith.constant true
        %not3A_239 = arith.xori %eq3A_128, %not3A_238 : i1
        %and3A_240 = arith.andi %or3A_237, %not3A_239 : i1
        %convert_element_type3A_241 = arith.extui %and3A_240 : i1 to i32
        %cond3A_242 = arith.constant 0 : i32
        %cond3A_243 = arith.cmpi ne, %convert_element_type3A_241, %cond3A_242 : i32
        scf.if %cond3A_243 {
          "tpu.trace_start"() <{level = 10 : i32, message = "ep_wait_out"}> : () -> ()
          %rem3A_264 = arith.constant 2 : i32
          %rem3A_265 = arith.remui %scan3A_125, %rem3A_264 : i32
          %mul3A_266 = arith.constant 800 : i32
          %mul3A_267 = arith.muli %mul3A_266, %add3A_140 : i32
          %dma_wait3A_268 = arith.constant 0 : i32
          %dma_wait3A_269 = arith.constant 0 : i32
          %dma_wait3A_270 = tpu.memref_slice %run_scoped3A_8[%rem3A_265, %dma_wait3A_268, %dma_wait3A_269] : memref<2x800x64xf32, #tpu.memory_space<vmem>> -> memref<1x800x64xf32, #tpu.memory_space<vmem>>
          %dma_wait3A_271 = tpu.memref_squeeze %dma_wait3A_270 : memref<1x800x64xf32, #tpu.memory_space<vmem>> -> memref<800x64xf32, #tpu.memory_space<vmem>>
          %dma_wait3A_272 = arith.constant 0 : i32
          %dma_wait3A_273 = tpu.memref_slice %arg4[%mul3A_267, %dma_wait3A_272] : memref<819200x64xf32, #tpu.memory_space<hbm>> -> memref<800x64xf32, #tpu.memory_space<hbm>>
          %dma_wait3A_274 = tpu.memref_slice %run_scoped3A_9[%rem3A_265] : memref<2x!tpu.dma_semaphore, #tpu.memory_space<semaphore_mem>> -> memref<1x!tpu.dma_semaphore, #tpu.memory_space<semaphore_mem>>
          %dma_wait3A_275 = tpu.memref_squeeze %dma_wait3A_274 : memref<1x!tpu.dma_semaphore, #tpu.memory_space<semaphore_mem>> -> memref<!tpu.dma_semaphore, #tpu.memory_space<semaphore_mem>>
          %dma_wait3A_276 = arith.constant 0 : i32
          %dma_wait3A_277 = tpu.memref_slice %arg4[%mul3A_267, %dma_wait3A_276] : memref<819200x64xf32, #tpu.memory_space<hbm>> -> memref<800x64xf32, #tpu.memory_space<hbm>>
          %dma_wait3A_278 = arith.constant 0 : i32
          %dma_wait3A_279 = arith.constant 0 : i32
          %dma_wait3A_280 = tpu.memref_slice %run_scoped3A_8[%rem3A_265, %dma_wait3A_278, %dma_wait3A_279] : memref<2x800x64xf32, #tpu.memory_space<vmem>> -> memref<1x800x64xf32, #tpu.memory_space<vmem>>
          %dma_wait3A_281 = tpu.memref_squeeze %dma_wait3A_280 : memref<1x800x64xf32, #tpu.memory_space<vmem>> -> memref<800x64xf32, #tpu.memory_space<vmem>>
          tpu.wait_dma2 semaphore(%dma_wait3A_275 : memref<!tpu.dma_semaphore, #tpu.memory_space<semaphore_mem>>) src(%dma_wait3A_281 : memref<800x64xf32, #tpu.memory_space<vmem>>) dst(%dma_wait3A_277 : memref<800x64xf32, #tpu.memory_space<hbm>>)
          "tpu.trace_stop"() : () -> ()
        } else {
        }
        %and3A_244 = arith.constant true
        %and3A_245 = arith.andi %and3A_240, %and3A_244 : i1
        %add3A_246 = arith.constant 1 : i32
        %add3A_247 = arith.addi %scan3A_125, %add3A_246 : i32
        %select_n3A_248 = arith.select %and3A_245, %add3A_247, %scan3A_125 : i32
        %ne3A_249 = arith.cmpi ne, %add3A_131, %add3A_149 : i32
        %or3A_250 = arith.constant false
        %or3A_251 = arith.ori %or3A_250, %ne3A_249 : i1
        %or3A_252 = arith.ori %or3A_251, %eq3A_130 : i1
        %add3A_253 = arith.constant 1 : i32
        %add3A_254 = arith.addi %scan3A_123, %add3A_253 : i32
        %select_n3A_255 = arith.select %or3A_252, %add3A_254, %scan3A_123 : i32
        %add3A_256 = arith.constant 1 : i32
        %add3A_257 = arith.addi %scan3A_126, %add3A_256 : i32
        %select_n3A_258 = arith.constant true
        %select_n3A_259 = arith.select %select_n3A_258, %add3A_257, %scan3A_126 : i32
        %eq3A_260 = arith.constant 32 : i32
        %eq3A_261 = arith.cmpi eq, %select_n3A_259, %eq3A_260 : i32
        %select_n3A_262 = arith.constant 0 : i32
        %select_n3A_263 = arith.select %eq3A_261, %select_n3A_262, %select_n3A_259 : i32
        scf.yield %select_n3A_167, %select_n3A_255, %select_n3A_221, %select_n3A_248, %select_n3A_263 : i32, i32, i32, i32, i32
      }
      %scan3A_68 = arith.constant 32 : i32
      %sub3A = arith.constant 1 : i32
      %sub3A_69 = arith.subi %scan3A_67#4, %sub3A : i32
      %select_n3A_70 = arith.constant true
      %select_n3A_71 = arith.select %select_n3A_70, %sub3A_69, %scan3A_67#4 : i32
      %eq3A_72 = arith.constant -1 : i32
      %eq3A_73 = arith.cmpi eq, %select_n3A_71, %eq3A_72 : i32
      %select_n3A_74 = arith.constant 31 : i32
      %select_n3A_75 = arith.select %eq3A_73, %select_n3A_74, %select_n3A_71 : i32
      %add3A_76 = arith.addi %select_n3A_75, %mul3A_6 : i32
      %sub3A_77 = arith.constant 1 : i32
      %sub3A_78 = arith.subi %select_n3A_75, %sub3A_77 : i32
      %select_n3A_79 = arith.constant true
      %select_n3A_80 = arith.select %select_n3A_79, %sub3A_78, %select_n3A_75 : i32
      %eq3A_81 = arith.constant -1 : i32
      %eq3A_82 = arith.cmpi eq, %select_n3A_80, %eq3A_81 : i32
      %select_n3A_83 = arith.constant 31 : i32
      %select_n3A_84 = arith.select %eq3A_82, %select_n3A_83, %select_n3A_80 : i32
      %add3A_85 = arith.addi %select_n3A_84, %mul3A_6 : i32
      %add3A_86 = arith.constant 1 : i32
      %add3A_87 = arith.addi %select_n3A_75, %add3A_86 : i32
      %select_n3A_88 = arith.constant true
      %select_n3A_89 = arith.select %select_n3A_88, %add3A_87, %select_n3A_75 : i32
      %eq3A_90 = arith.constant 32 : i32
      %eq3A_91 = arith.cmpi eq, %select_n3A_89, %eq3A_90 : i32
      %select_n3A_92 = arith.constant 0 : i32
      %select_n3A_93 = arith.select %eq3A_91, %select_n3A_92, %select_n3A_89 : i32
      %add3A_94 = arith.addi %select_n3A_93, %mul3A_6 : i32
      %add3A_95 = arith.constant 1 : i32
      %add3A_96 = arith.addi %select_n3A_93, %add3A_95 : i32
      %select_n3A_97 = arith.constant true
      %select_n3A_98 = arith.select %select_n3A_97, %add3A_96, %select_n3A_93 : i32
      %eq3A_99 = arith.constant 32 : i32
      %eq3A_100 = arith.cmpi eq, %select_n3A_98, %eq3A_99 : i32
      %select_n3A_101 = arith.constant 0 : i32
      %select_n3A_102 = arith.select %eq3A_100, %select_n3A_101, %select_n3A_98 : i32
      %add3A_103 = arith.addi %select_n3A_102, %mul3A_6 : i32
      "tpu.trace_start"() <{level = 10 : i32, message = "ep_finalize"}> : () -> ()
      %rem3A_104 = arith.constant 2 : i32
      %rem3A_105 = arith.remui %scan3A_67#3, %rem3A_104 : i32
      %mul3A_106 = arith.constant 800 : i32
      %mul3A_107 = arith.muli %mul3A_106, %add3A_76 : i32
      %dma_wait3A = arith.constant 0 : i32
      %dma_wait3A_108 = arith.constant 0 : i32
      %dma_wait3A_109 = tpu.memref_slice %run_scoped3A_8[%rem3A_105, %dma_wait3A, %dma_wait3A_108] : memref<2x800x64xf32, #tpu.memory_space<vmem>> -> memref<1x800x64xf32, #tpu.memory_space<vmem>>
      %dma_wait3A_110 = tpu.memref_squeeze %dma_wait3A_109 : memref<1x800x64xf32, #tpu.memory_space<vmem>> -> memref<800x64xf32, #tpu.memory_space<vmem>>
      %dma_wait3A_111 = arith.constant 0 : i32
      %dma_wait3A_112 = tpu.memref_slice %arg4[%mul3A_107, %dma_wait3A_111] : memref<819200x64xf32, #tpu.memory_space<hbm>> -> memref<800x64xf32, #tpu.memory_space<hbm>>
      %dma_wait3A_113 = tpu.memref_slice %run_scoped3A_9[%rem3A_105] : memref<2x!tpu.dma_semaphore, #tpu.memory_space<semaphore_mem>> -> memref<1x!tpu.dma_semaphore, #tpu.memory_space<semaphore_mem>>
      %dma_wait3A_114 = tpu.memref_squeeze %dma_wait3A_113 : memref<1x!tpu.dma_semaphore, #tpu.memory_space<semaphore_mem>> -> memref<!tpu.dma_semaphore, #tpu.memory_space<semaphore_mem>>
      %dma_wait3A_115 = arith.constant 0 : i32
      %dma_wait3A_116 = tpu.memref_slice %arg4[%mul3A_107, %dma_wait3A_115] : memref<819200x64xf32, #tpu.memory_space<hbm>> -> memref<800x64xf32, #tpu.memory_space<hbm>>
      %dma_wait3A_117 = arith.constant 0 : i32
      %dma_wait3A_118 = arith.constant 0 : i32
      %dma_wait3A_119 = tpu.memref_slice %run_scoped3A_8[%rem3A_105, %dma_wait3A_117, %dma_wait3A_118] : memref<2x800x64xf32, #tpu.memory_space<vmem>> -> memref<1x800x64xf32, #tpu.memory_space<vmem>>
      %dma_wait3A_120 = tpu.memref_squeeze %dma_wait3A_119 : memref<1x800x64xf32, #tpu.memory_space<vmem>> -> memref<800x64xf32, #tpu.memory_space<vmem>>
      tpu.wait_dma2 semaphore(%dma_wait3A_114 : memref<!tpu.dma_semaphore, #tpu.memory_space<semaphore_mem>>) src(%dma_wait3A_120 : memref<800x64xf32, #tpu.memory_space<vmem>>) dst(%dma_wait3A_116 : memref<800x64xf32, #tpu.memory_space<hbm>>)
      "tpu.trace_stop"() : () -> ()
      tpu.yield
    }) : () -> ()
    return
  }
}

</mosaic_0001>

<sc_bundles>
// kernel: kernel.3.cloned.1.call-start
scs
__scs_entry_jumppad:
0x0: {  	(pc) =	sbr.rel $0x88, $3  }
0x1: {  	(tag) =	ssettag $0x0;
	lr =	simm.s32 $0x1  }
0x2: {  	[smem:$0x3F9F] =	sst lr;
	_ =	strace $0xD0000000  }
0x3: {  	_ = 	snop  }
0x4: {  	_ = 	snop  }
0x5: {  	_ = 	snop  }
0x6: {  	_ = 	snop  }
0x7: {  	_ = 	snop  }
__scs_overlays_trampoline_lowered:
0x8: {  	[smem:$0x3FAE] =	sst s0  }
0x9: {  	[smem:$0x3FAF] =	sst s1  }
0xa: {  	[smem:$0x3FB0] =	sst s2  }
0xb: {  	[smem:$0x3FB1] =	sst s3  }
0xc: {  	[smem:$0x3FB2] =	sst s4  }
0xd: {  	[smem:$0x3FB3] =	sst s5  }
0xe: {  	[smem:$0x3FB4] =	sst s6  }
0xf: {  	[smem:$0x3FB5] =	sst s7  }
0x10: {  	[smem:$0x3FB6] =	sst s8  }
0x11: {  	[smem:$0x3FB7] =	sst s9;
	s0 =	simm.s32 @!p0 $0x0  }
0x12: {  	s1 =	sld [smem:$0x3F9D];
	s0 =	simm.s32 @p0 $0x1  }
0x13: {  	[smem:$0x3FB8] =	sst s0;
	s0 =	simm.s32 @!p1 $0x0  }
0x14: {  	s2 =	sld [smem:$0x3F9C];
	s0 =	simm.s32 @p1 $0x1  }
0x15: {  	[smem:$0x3FB9] =	sst s0;
	s0 =	simm.s32 @!p2 $0x0  }
0x16: {  	s3 =	sld [smem:$0x3FDB];
	s0 =	simm.s32 @p2 $0x1  }
0x17: {  	s4 =	simm.s32 $0x1BF5;
	[smem:$0x3FBB] =	sst s0  }
0x18: {  	s0 =	sld [smem:$0x3F9E];
	_ =	swait.ge [sflag:s4], $0x0  }
0x19: {  	s7 =	sld [smem:$0x3F9F]  }
0x1a: {  	s8 =	sadd.s32 $0xFFFFE003, lr  }
0x1b: {  	s9 =	sadd.s32 $0xFFFFFEF7, lr;
	s5 =	simm.s32 $0xFFFFFFFF;
	p2 =	slt.u32 s8, $0xFFFFF086  }
0x1c: {  	p1 =	slt.u32 s9, $0xF7A;
	s5 =	simm.s32 @!p2 $0x0  }
0x1d: {  	s5 =	simm.s32 @p1 $0x1;
	p0 =	seq.s32 s7, s2  }
0x1e: {  	s7 =	smul.u32 @!p0 $0xF7A, s2;
	p2 =	seq.s32 @!p0 s5, $0x0  }
0x1f: {  	s9 =	smul.u32 $0xF7A, s1;
	s8 =	simm.s32 @!p0 $0x1BF5;
	p2 =	por !p2, p0  }
0x20: {  	[sflag:s8] =	ssyncset.s32 @!p0 $0xFFFFF086;
	s6 =	sadd.s32 @!p0 s3, s7;
	s7 =	simm.s32 @!p0 $0x108  }
0x21: {  	s3 =	sadd.s32 s3, s9;
	s6 =	sadd.s32 @!p0 $0x88, s6;
	s7 =	simm.s32 @p2 $0x1082  }
0x22: {  	[simem:s7], [sflag:s8] =	dma.local @!p0 [hbm:s6], $0xF7A  }
0x23: {  	s9 =	sor.u32 $0xD0000000, s2;
	s6 =	simm.s32 $0x108;
	_ =	swait.ge @!p0 [sflag:s8], $0x0  }
0x24: {  	s3 =	sadd.s32 $0x88, s3;
	s6 =	simm.s32 @!p1 $0x1082;
	[sflag:s4] =	ssyncset.s32 $0xFFFFF086  }
0x25: {  	[simem:s6], [sflag:s4] =	dma.local [hbm:s3], $0xF7A  }
0x26: {  	[smem:$0x3F9F] =	sst s1;
	(tag) =	ssettag s2;
	_ =	strace s9  }
0x27: {  	s1 =	sld [smem:$0x3FAF]  }
0x28: {  	s2 =	sld [smem:$0x3FB0]  }
0x29: {  	s4 =	sld [smem:$0x3FB2]  }
0x2a: {  	p0 =	seq.s32 s5, $0x0;
	s5 =	sld [smem:$0x3FB3]  }
0x2b: {  	s6 =	sld [smem:$0x3FB4]  }
0x2c: {  	s7 =	sld [smem:$0x3FB5]  }
0x2d: {  	s3 =	simm.s32 $0x108;
	s8 =	sld [smem:$0x3FB6]  }
0x2e: {  	s3 =	simm.s32 @!p0 $0x1082;
	s9 =	sld [smem:$0x3FB7]  }
0x2f: {  	lr =	sadd.s32 s0, s3;
	s0 =	sld [smem:$0x3FAE]  }
0x30: {  	s3 =	sld [smem:$0x3FB1]  }
0x31: {  	[smem:$0x3FBA] =	sst s10  }
0x32: {  	s10 =	sld [smem:$0x3FB8];
	_ =	sdelay $0x3  }
0x33: {  	p0 =	seq.s32 s10, $0x1;
	s10 =	sld [smem:$0x3FBA];
	_ =	sdelay $0x3  }
0x34: {  	[smem:$0x3FBA] =	sst s10  }
0x35: {  	s10 =	sld [smem:$0x3FB9];
	_ =	sdelay $0x3  }
0x36: {  	p1 =	seq.s32 s10, $0x1;
	s10 =	sld [smem:$0x3FBA];
	_ =	sdelay $0x3  }
0x37: {  	[smem:$0x3FBA] =	sst s10  }
0x38: {  	s10 =	sld [smem:$0x3FBB]  }
0x39: {  	_ = 	snop;
	(pc) =	sbr.ind lr, $3  }
0x3a: {  	_ = 	snop  }
0x3b: {  	_ = 	snop  }
0x3c: {  	p2 =	seq.s32 s10, $0x1;
	s10 =	sld [smem:$0x3FBA]  }
0x3d: {  	_ =	shalt  }
0x3e: {  	_ =	shalt  }
0x3f: {  	_ =	shalt  }
0x40: {  	_ =	shalt  }
0x41: {  	_ =	shalt  }
0x42: {  	_ =	shalt  }
0x43: {  	_ =	shalt  }
0x44: {  	_ =	shalt  }
0x45: {  	_ =	shalt  }
0x46: {  	_ =	shalt  }
0x47: {  	_ =	shalt  }
0x48: {  	_ =	shalt  }
0x49: {  	_ =	shalt  }
0x4a: {  	_ =	shalt  }
0x4b: {  	_ =	shalt  }
0x4c: {  	_ =	shalt  }
0x4d: {  	_ =	shalt  }
0x4e: {  	_ =	shalt  }
0x4f: {  	_ =	shalt  }
0x50: {  	_ =	shalt  }
0x51: {  	_ =	shalt  }
0x52: {  	_ =	shalt  }
0x53: {  	_ =	shalt  }
0x54: {  	_ =	shalt  }
0x55: {  	_ =	shalt  }
0x56: {  	_ =	shalt  }
0x57: {  	_ =	shalt  }
0x58: {  	_ =	shalt  }
0x59: {  	_ =	shalt  }
0x5a: {  	_ =	shalt  }
0x5b: {  	_ =	shalt  }
0x5c: {  	_ =	shalt  }
0x5d: {  	_ =	shalt  }
0x5e: {  	_ =	shalt  }
0x5f: {  	_ =	shalt  }
0x60: {  	_ =	shalt  }
0x61: {  	_ =	shalt  }
0x62: {  	_ =	shalt  }
0x63: {  	_ =	shalt  }
0x64: {  	_ =	shalt  }
0x65: {  	_ =	shalt  }
0x66: {  	_ =	shalt  }
0x67: {  	_ =	shalt  }
0x68: {  	_ =	shalt  }
0x69: {  	_ =	shalt  }
0x6a: {  	_ =	shalt  }
0x6b: {  	_ =	shalt  }
0x6c: {  	_ =	shalt  }
0x6d: {  	_ =	shalt  }
0x6e: {  	_ =	shalt  }
0x6f: {  	_ =	shalt  }
0x70: {  	_ =	shalt  }
0x71: {  	_ =	shalt  }
0x72: {  	_ =	shalt  }
0x73: {  	_ =	shalt  }
0x74: {  	_ =	shalt  }
0x75: {  	_ =	shalt  }
0x76: {  	_ =	shalt  }
0x77: {  	_ =	shalt  }
0x78: {  	_ =	shalt  }
0x79: {  	_ =	shalt  }
0x7a: {  	_ =	shalt  }
0x7b: {  	_ =	shalt  }
0x7c: {  	_ =	shalt  }
0x7d: {  	_ =	shalt  }
0x7e: {  	_ =	shalt  }
0x7f: {  	_ =	shalt  }
0x80: {  	_ =	shalt  }
0x81: {  	_ =	shalt  }
0x82: {  	_ =	shalt  }
0x83: {  	_ =	shalt  }
0x84: {  	_ =	shalt  }
0x85: {  	_ =	shalt  }
0x86: {  	_ =	shalt  }
0x87: {  	_ =	shalt  }
.Lfunc_end0:
.L_simem_size_0:
called_computation.1_lowered:
.L_overlay_start_0:
0x88: {  	s2 =	sld [smem:$0x3FD9]  }
0x89: {  	s3 =	sld [smem:$0x3FFE];
	_ =	sdelay $0x1  }
0x8a: {  	s1 =	srdreg.scid  }
0x8b: {  	s0 =	sand.u32 $0x1, s1  }
0x8c: {  	s17 =	sshll.u32 s0, $0xA;
	s2 =	sadd.s32 s3, s2  }
0x8d: {  	s2 =	sadd.s32 s2, s17  }
0x8e: {  	[smem:$0x3FC6] =	sst s2  }
0x8f: {  	_ = 	snop  }
0x90: {  	s2 =	sld [smem:$0x3FD0];
	(tm) =	ssettm $0x1  }
0x91: {  	s18 =	sld [smem:$0x3FFB];
	_ =	sdelay $0x3  }
0x92: {  	_ =	strace s18  }
0x93: {  	s3 =	sld [smem:$0x3FFC];
	_ =	sdelay $0x3  }
0x94: {  	_ =	strace s3  }
0x95: {  	s3 =	sld [smem:$0x3FFD];
	_ =	sdelay $0x3  }
0x96: {  	_ =	strace s3  }
0x97: {  	_ =	strace $0x8FFFFFFF  }
0x98: {  	s19 =	sld [smem:$0x3FDB];
	_ =	sdelay $0x1  }
0x99: {  	s4 =	simm.s32 $_scs_section_size  }
0x9a: {  	s5 =	simm.s32 $_size__tile_overlayer_lowered;
	s6 =	simm.s32 $_tile_overlayer_lowered  }
0x9b: {  	s22 =	simm.s32 $0x1BFF;
	s21 =	sshll.u32 s6, $0x1;
	s3 =	sadd.s32 s4, s19  }
0x9c: {  	s7 =	simm.s32 $0x0;
	s20 =	sshll.u32 s5, $0x1;
	s5 =	sadd.s32 s21, s3  }
0x9d: {  	[timem:s7], [sflag:s22] =	dma.local [hbm:s5], s20  }
0x9e: {  	_ =	swait.ge [sflag:s22], s20  }
0x9f: {  	s4 =	ssub.s32 $0x0, s20;
	[sflag:s22] =	ssyncset.done $0x0  }
0xa0: {  	[sflag:s22] =	ssyncadd.s32 s4;
	_ =	sdelay $0x1  }
0xa1: {  	s23 =	simm.s32 $0x1B8B  }
0xa2: {  	_ =	swait.ge [sflag:s23], $0x1  }
0xa3: {  	[sflag:s23] =	ssyncset.done $0x0  }
0xa4: {  	s25 =	simm.s32 $0x1B8E;
	s24 =	sld [smem:$0x3FFE];
	[sflag:s23] =	ssyncadd.s32 $0xFFFFFFFF  }
0xa5: {  	s26 =	simm.s32 $execute0_lowered;
	[smem:$0x3FD2] =	sst s25  }
0xa6: {  	s5 =	sshll.u32 s26, $0x1;
	_ =	strace $0x80000046;
	[dreg:$0x1] =	wrdreg $0xFFFFFFFF  }
0xa7: {  	s28 =	simm.s32 $_size_execute0_lowered;
	s3 =	sadd.s32 s3, s5;
	[dreg:$0x0] =	wrdreg $0x0  }
0xa8: {  	s5 =	sshll.u32 s28, $0x1;
	[dreg:$0x2] =	wrdreg s3  }
0xa9: {  	[dreg:$0x3] =	wrdreg s5  }
0xaa: {  	[dreg:$0x4] =	wrdreg $0xC0  }
0xab: {  	_ =	task [dreg:s7], $0x5FFFF  }
0xac: {  	[dreg:$0x1] =	wrdreg $0xFFFFFFFF  }
0xad: {  	[dreg:$0x0] =	wrdreg $0x60  }
0xae: {  	[dreg:$0x2] =	wrdreg s24  }
0xaf: {  	[dreg:$0x3] =	wrdreg s2  }
0xb0: {  	[dreg:$0x4] =	wrdreg $0x9  }
0xb1: {  	_ =	task.clear_ibuf [dreg:s7], $0x5FFFF;
	_ =	strace $0x90000046  }
0xb2: {  	s29 =	simm.s32 $0x9;
	_ =	strace $0x8000004F  }
0xb3: {  	_ =	swait.ge [sflag:s29], $0x1  }
0xb4: {  	[sflag:s29] =	ssyncadd.s32 $0xFFFFFFFF  }
0xb5: {  	_ =	strace $0x9000004F  }
0xb6: {  	_ =	sfence  }
0xb7: {  	s30 =	sld [smem:$0x0];
	_ =	sdelay $0x2  }
0xb8: {  	s31 =	sshll.u32 s1, $0xD;
	s1 =	sshrl.u32 s1, $0x2  }
0xb9: {  	s3 =	sand.u32 $0x4000, s31;
	s1 =	sadd.s32 s1, s30  }
0xba: {  	s0 =	sor.u32 s3, s0;
	s1 =	sshll.u32 s1, $0x11  }
0xbb: {  	s0 =	sor.u32 s1, s0  }
0xbc: {  	s0 =	sadd.s32 $0x8F2B, s0  }
0xbd: {  	[sflag:s0] =	ssyncadd.remote.s32 $0x1  }
0xbe: {  	_ =	sfence.sel $0xFFFF  }
0xbf: {  	[dreg:$0x0] =	wrdreg $0xFFFFFFFF;
	(pc) =	sbr.abs _section_cstart, $3  }
0xc0: {  	[dreg:$0x1] =	wrdreg $0xFFFFFFFF  }
0xc1: {  	_ =	task.clear_ibuf [dreg:s7], $0x2FFFF;
	_ =	strace $0x9FFFFFFF  }
0xc2: {  	(tm) =	ssettm $0x7FFFFFFF  }
0xc3: {  	_ =	shalt  }
tec
execute0_lowered:
.L_overlay_start_1:
0x0: {  	(tag) =	ssettag $0x1  }
0x1: {  	s3 =	rddreg [dreg:$0x0]  }
0x2: {  	s0 =	rddreg [dreg:$0x1]  }
0x3: {  	s1 =	srdreg.scid;
	s2 =	simm.s32 $0x0;
	s8 =	simm.s32 $0x320  }
0x4: {  	s9 =	simm.s32 $0x5;
	s10 =	simm.s32 $0x4;
	[dreg:$0x4] =	wrdreg s0  }
0x5: {  	s11 =	simm.s32 $0x0;
	s4 =	sand.u32 $0x1, s1;
	[smem:$0x7FF] =	sst s2  }
0x6: {  	s1 =	stileid.u32;
	s6 =	sadd.s32 $0x19A00, s3;
	s5 =	sshll.u32 s4, $0x4  }
0x7: {  	s3 =	sadd.s32 $0xA00, s3;
	s4 =	ssub.s32 $0x2, s4;
	s5 =	sor.u32 s1, s5  }
0x8: {  	_ =	strace $0x80000047;
	s31 =	sshrl.u32 s4, $0x1;
	s7 =	smul.u32 $0xC80, s5  }
0x9: {  	[dreg:$0x3] =	wrdreg s6;
	s6 =	ssub.s32 s4, s31;
	s4 =	sshll.u32 s5, $0x5  }
0xa: {  	s6 =	smax.u32 s6, $0x1;
	s5 =	sadd.s32 s3, s7;
	s7 =	simm.s32 $0x1  }
.LBB2_1:
0xb: {  	_ =	strace $0x80000048;
	s13 =	simm.s32 $0x1  }
0xc: {  	p0 =	por $0x0, $0x0;
	p1 =	por $0x1, $0x1;
	s21 =	sand.u32 $0x1, s2  }
0xd: {  	[tilespmem:s2], [sflag:$0x1] =	stream.linear.gather [hbm4b:s5+s2], $0x320, $0x200038;
	[tilespmem:$0x19640] =	vst v63  }
0xe: {  	p4 =	por $0x1, $0x1;
	s20 =	sadd.s32 $0x0, s4;
	s13 =	simm.s32 @p0 $0x0  }
0xf: {  	s24 =	simm.s32 $0x320;
	p6 =	por $0x0, $0x0;
	p0 =	sne.s32 s13, $0x0  }
0x10: {  	p5 =	por $0x1, $0x1;
	s28 =	simm.s32 $0x1;
	p1 =	por !p1, !p0  }
0x11: {  	s26 =	sadd.s32 $0x1, s21;
	s17 =	sand.u32 @!p4 $0x1, s2;
	p1 =	por !p1, !p1  }
0x12: {  	p3 =	seq.s32 s21, $0x1;
	s31 =	smul.u32 $0x32000, s21;
	s12 =	sadd.s32 @p1 s4, s13  }
0x13: {  	_ =	strace $0x90000048;
	s14 =	sand.u32 @p1 $0x1, s7;
	s12 =	smul.u32 @p1 $0x320, s12  }
0x14: {  	s18 =	sadd.s32 $0x1, s13;
	p2 =	por p0, p0;
	s15 =	smul.u32 @p1 $0xC80, s14  }
0x15: {  	s16 =	simm.s32 @p1 $0x0;
	_ =	strace @p1 $0x80000049;
	s12 =	sshrl.u32 @p1 s12, $0x3  }
0x16: {  	s14 =	sadd.s32 @p1 $0x1, s14;
	s15 =	sshrl.u32 @p1 s15, $0x2;
	s12 =	sadd.s32 @p1 s3, s12  }
0x17: {  	[tilespmem:s15], [sflag:s14] =	stream.linear.gather @p1 [hbm4b:s12+s16], $0x320, $0x200038;
	[tilespmem:$0x19640] =	vst v63  }
0x18: {  	s24 =	simm.s32 @!p3 $0x0;
	p6 =	por p6, p2;
	_ =	strace @p1 $0x90000049  }
0x19: {  	p0 =	por $0x0, $0x0;
	s30 =	smul.u32 @p6 $0xC800, s20;
	_ =	strace $0x8000004A  }
0x1a: {  	s20 =	simm.s32 $0x0;
	s12 =	simm.s32 $0x1F;
	_ =	swait.ge [sflag:s26], $0x320  }
0x1b: {  	s15 =	simm.s32 $0x1;
	s16 =	simm.s32 $0x1E;
	[sflag:s26] =	ssyncset.done $0x0  }
0x1c: {  	s14 =	sshrl.u32 s31, $0x2;
	s15 =	simm.s32 @!p1 $0x0;
	[sflag:s26] =	ssyncadd.s32 $0xFFFFFCE0  }
0x1d: {  	p1 =	por p4, p4;
	s22 =	sor.u32 $0x640, s14;
	_ =	strace $0x9000004A  }
0x1e: {  	s19 =	sadd.s32 @!p1 $0x3, s17;
	s17 =	simm.s32 $0x1;
	_ =	strace $0x8000004B  }
0x1f: {  	s17 =	simm.s32 @!p0 $0x0;
	p0 =	seq.s32 s18, $0x20;
	s23 =	rddreg [dreg:$0x3]  }
0x20: {  	[tilespmem:s22], [sflag:$0x5] =	stream.indirect.gather [hbm4b:s23+s8], $0x40, s24, s8, $0x2000b8;
	[tilespmem:$0x19640] =	vst v63  }
0x21: {  	p4 =	por $0x0, $0x0;
	s18 =	simm.s32 @p0 $0x0;
	_ =	swait.ge [sflag:s9], $0xC800  }
0x22: {  	s15 =	sadd.s32 $0x1, s15;
	p3 =	sne.s32 s13, s18;
	[sflag:s9] =	ssyncset.done $0x0  }
0x23: {  	s14 =	sadd.s32 $0x0, s17;
	p5 =	por !p5, !p3;
	[sflag:s9] =	ssyncadd.s32 $0xFFFF3800  }
0x24: {  	s17 =	simm.s32 $0x0;
	p2 =	por !p5, !p5;
	_ =	strace $0x9000004B  }
0x25: {  	s26 =	simm.s32 @p6 $0x0;
	s28 =	simm.s32 @!p2 $0x0;
	_ =	strace @p6 $0x8000004C  }
0x26: {  	s23 =	sadd.s32 @p2 s4, s18;
	s24 =	sand.u32 @p2 $0x1, s15;
	s29 =	rddreg [dreg:$0x4]  }
.LBB2_2:
0x27: {  	p0 =	por p3, p3  }
0x28: {  	s31 =	smul.u32 @p2 $0x320, s23;
	s0 =	smov.u32 s13;
	s13 =	simm.s32 @!p0 $0x0  }
0x29: {  	s15 =	sadd.s32 s28, s15;
	s28 =	sshrl.u32 @p6 s30, $0x3;
	s13 =	simm.s32 @p0 $0x1  }
0x2a: {  	s21 =	sadd.s32 @p6 $0x3, s21;
	s28 =	sadd.s32 @p6 s29, s28;
	[smem:$0x7FD] =	sst s13  }
0x2b: {  	[hbm4b:s28+s26] =	stream.linear.scatter @p6 [tilespmem:s22], [sflag:s21], $0xC800, $0x200038;
	[tilespmem:$0x19640] =	vst v63  }
0x2c: {  	s25 =	sand.u32 @!p4 $0x1, s14;
	s23 =	smov.u32 s12;
	_ =	strace @p6 $0x9000004C  }
0x2d: {  	s12 =	smov.u32 s16;
	s16 =	sadd.s32 $0xFFFFFFFF, s16;
	_ =	strace @!p1 $0x8000004D  }
0x2e: {  	p5 =	sne.s32 s16, $0x0;
	s30 =	sshrl.u32 @p2 s31, $0x3;
	_ =	swait.ge @!p1 [sflag:s19], $0xC800  }
0x2f: {  	s29 =	simm.s32 $0x1;
	s13 =	smul.u32 @p2 $0xC80, s24;
	[sflag:s19] =	ssyncset.done @!p1 $0x0  }
0x30: {  	s29 =	simm.s32 @!p6 $0x0;
	s26 =	sadd.s32 @p2 s3, s30;
	[sflag:s19] =	ssyncadd.s32 @!p1 $0xFFFF3800  }
0x31: {  	s20 =	sadd.s32 s29, s20;
	s22 =	sshrl.u32 @p2 s13, $0x2;
	_ =	strace @!p1 $0x9000004D  }
0x32: {  	s19 =	sadd.s32 @p2 $0x1, s24;
	s24 =	simm.s32 @p2 $0x0;
	_ =	strace @p2 $0x80000049  }
0x33: {  	[tilespmem:s22], [sflag:s19] =	stream.linear.gather @p2 [hbm4b:s26+s24], $0x320, $0x200038;
	[tilespmem:$0x19640] =	vst v63  }
0x34: {  	s0 =	sadd.s32 s4, s0;
	s31 =	sand.u32 $0x1, s20;
	_ =	strace @p2 $0x90000049  }
0x35: {  	p0 =	sne.s32 s12, $0x1;
	s24 =	sadd.s32 $0x1, s31;
	_ =	strace $0x8000004A  }
0x36: {  	s17 =	sadd.s32 s29, s17;
	s13 =	smov.u32 s18;
	_ =	swait.ge [sflag:s24], $0x320  }
0x37: {  	s21 =	sand.u32 $0x1, s17;
	s18 =	sadd.s32 $0x1, s18;
	[sflag:s24] =	ssyncset.done $0x0  }
0x38: {  	p1 =	por p4, p4;
	s26 =	smul.u32 $0x32000, s21;
	[sflag:s24] =	ssyncadd.s32 $0xFFFFFCE0  }
0x39: {  	p3 =	seq.s32 s31, $0x1;
	s19 =	sadd.s32 @!p1 $0x3, s25;
	_ =	strace $0x9000004A  }
0x3a: {  	s22 =	sshrl.u32 s26, $0x2;
	s26 =	simm.s32 $0x320;
	_ =	strace $0x8000004B  }
0x3b: {  	s22 =	sor.u32 $0x640, s22;
	s26 =	simm.s32 @!p3 $0x0;
	s31 =	rddreg [dreg:$0x3]  }
0x3c: {  	[tilespmem:s22], [sflag:$0x5] =	stream.indirect.gather [hbm4b:s31+s8], $0x40, s26, s8, $0x2000b8;
	[tilespmem:$0x19640] =	vst v63  }
0x3d: {  	s25 =	simm.s32 $0x1;
	p2 =	sne.s32 s23, $0x20;
	_ =	swait.ge [sflag:s9], $0xC800  }
0x3e: {  	s25 =	simm.s32 @!p2 $0x0;
	p2 =	seq.s32 s18, $0x20;
	s31 =	sld [smem:$0x7FD]  }
0x3f: {  	s28 =	simm.s32 $0x1;
	p4 =	seq.s32 s12, $0x20;
	s18 =	simm.s32 @p2 $0x0  }
0x40: {  	s14 =	sadd.s32 s25, s14;
	p2 =	seq.s32 s23, $0x1;
	p3 =	sne.s32 s13, s18  }
.Ltmp0:
0x41: {  	[sflag:s9] =	ssyncset.done $0x0;
	p6 =	seq.s32 s31, $0x1;
	(pc) =	sbr.rel @p5 .LBB2_2-.Ltmp0, $4  }
0x42: {  	p0 =	por !p0, !p3;
	[sflag:s9] =	ssyncadd.s32 $0xFFFF3800;
	p6 =	por p2, p6  }
0x43: {  	_ =	strace $0x9000004B;
	p2 =	por !p0, !p0;
	s26 =	simm.s32 @p6 $0x0  }
0x44: {  	s23 =	sadd.s32 @p2 s4, s18;
	s28 =	simm.s32 @!p2 $0x0;
	_ =	strace @p6 $0x8000004C  }
0x45: {  	s24 =	sand.u32 @p2 $0x1, s15;
	s30 =	smul.u32 @p6 $0xC800, s0;
	s29 =	rddreg [dreg:$0x4]  }
0x46: {  	_ = 	snop  }
0x47: {  	s0 =	sshrl.u32 @p6 s30, $0x3  }
0x48: {  	s15 =	sadd.s32 @p6 $0x3, s21;
	s0 =	sadd.s32 @p6 s29, s0  }
0x49: {  	[hbm4b:s0+s26] =	stream.linear.scatter @p6 [tilespmem:s22], [sflag:s15], $0xC800, $0x200038;
	[tilespmem:$0x19640] =	vst v63  }
0x4a: {  	_ =	strace @p6 $0x9000004C  }
0x4b: {  	s16 =	smul.u32 @p2 $0xC80, s24;
	_ =	strace @!p1 $0x8000004D  }
0x4c: {  	s0 =	smul.u32 @p2 $0x320, s23;
	_ =	swait.ge @!p1 [sflag:s19], $0xC800  }
0x4d: {  	s16 =	sshrl.u32 @p2 s16, $0x2;
	s15 =	simm.s32 $0x1;
	[sflag:s19] =	ssyncset.done @!p1 $0x0  }
0x4e: {  	s15 =	simm.s32 @!p6 $0x0;
	s0 =	sshrl.u32 @p2 s0, $0x3;
	[sflag:s19] =	ssyncadd.s32 @!p1 $0xFFFF3800  }
0x4f: {  	s18 =	sadd.s32 s15, s20;
	s20 =	simm.s32 @p2 $0x0;
	_ =	strace @!p1 $0x9000004D  }
0x50: {  	s0 =	sadd.s32 @p2 s3, s0;
	s19 =	sadd.s32 @p2 $0x1, s24;
	_ =	strace @p2 $0x80000049  }
0x51: {  	[tilespmem:s16], [sflag:s19] =	stream.linear.gather @p2 [hbm4b:s0+s20], $0x320, $0x200038;
	[tilespmem:$0x19640] =	vst v63  }
0x52: {  	s26 =	sand.u32 $0x1, s18;
	_ =	strace @p2 $0x90000049  }
0x53: {  	s28 =	sadd.s32 $0x1, s26;
	_ =	strace $0x8000004A  }
0x54: {  	s15 =	sadd.s32 s15, s17;
	_ =	swait.ge [sflag:s28], $0x320  }
0x55: {  	s15 =	sand.u32 $0x1, s15;
	[sflag:s28] =	ssyncset.done $0x0  }
0x56: {  	s29 =	smul.u32 $0x32000, s15;
	[sflag:s28] =	ssyncadd.s32 $0xFFFFFCE0  }
0x57: {  	p0 =	seq.s32 s26, $0x1;
	_ =	strace $0x9000004A  }
0x58: {  	s31 =	sshrl.u32 s29, $0x2;
	s16 =	simm.s32 $0x320;
	_ =	strace $0x8000004B  }
0x59: {  	s0 =	sor.u32 $0x640, s31;
	s16 =	simm.s32 @!p0 $0x0;
	s30 =	rddreg [dreg:$0x3]  }
0x5a: {  	[tilespmem:s0], [sflag:$0x5] =	stream.indirect.gather [hbm4b:s30+s8], $0x40, s16, s8, $0x2000b8;
	[tilespmem:$0x19640] =	vst v63  }
0x5b: {  	_ =	swait.ge [sflag:s9], $0xC800  }
0x5c: {  	p5 =	por p3, p3;
	p6 =	seq.s32 s12, $0x1;
	[sflag:s9] =	ssyncset.done $0x0  }
0x5d: {  	s12 =	sadd.s32 s4, s13;
	p0 =	por p6, p5;
	[sflag:s9] =	ssyncadd.s32 $0xFFFF3800  }
0x5e: {  	s12 =	smul.u32 @p0 $0xC800, s12;
	_ =	strace $0x9000004B  }
0x5f: {  	_ =	strace @p0 $0x8000004C  }
0x60: {  	s12 =	sshrl.u32 @p0 s12, $0x3;
	s13 =	rddreg [dreg:$0x4]  }
0x61: {  	s15 =	sadd.s32 @p0 $0x3, s15;
	s16 =	simm.s32 @p0 $0x0;
	s12 =	sadd.s32 @p0 s13, s12  }
0x62: {  	[hbm4b:s12+s16] =	stream.linear.scatter @p0 [tilespmem:s0], [sflag:s15], $0xC800, $0x200038;
	[tilespmem:$0x19640] =	vst v63  }
0x63: {  	p1 =	por p4, p4;
	s0 =	sand.u32 @!p4 $0x1, s14;
	_ =	strace @p0 $0x9000004C  }
0x64: {  	s0 =	sadd.s32 @!p1 $0x3, s0;
	_ =	strace @!p1 $0x8000004D  }
0x65: {  	_ =	swait.ge @!p1 [sflag:s0], $0xC800  }
0x66: {  	[sflag:s0] =	ssyncset.done @!p1 $0x0  }
0x67: {  	s11 =	sadd.s32 $0x1, s11;
	[sflag:s0] =	ssyncadd.s32 @!p1 $0xFFFF3800  }
0x68: {  	p0 =	sne.s32 s11, s6;
	_ =	strace @!p1 $0x9000004D  }
.Ltmp1:
0x69: {  	_ =	strace $0x8000004E;
	(pc) =	sbr.rel @p0 .LBB2_1-.Ltmp1, $4  }
0x6a: {  	_ =	swait.ge [sflag:s10], $0xC800  }
0x6b: {  	[sflag:s10] =	ssyncset.done $0x0  }
0x6c: {  	[sflag:s10] =	ssyncadd.s32 $0xFFFF3800  }
0x6d: {  	_ =	strace $0x9000004E  }
0x6e: {  	_ =	sfence.sel $0x180000  }
0x6f: {  	[bflag:$0x0] =	sbarrier.arrive $0xFFFF  }
0x70: {  	_ =	strace $0x90000047  }
0x71: {  	[bflag:$0x2] =	sbarrier.arrive $0xFFFF  }
0x72: {  	p0 =	sne.s32 s1, $0x0;
	s0 =	rddreg [dreg:$0x2]  }
0x73: {  	s0 =	sadd.s32 @!p0 $0x100000, s0  }
0x74: {  	[sflag:s0] =	ssyncadd.tile.s32 @!p0 $0x1;
	_ =	shalt  }
.Lfunc_end2:
_tile_overlayer_lowered:
.L_overlay_start_2:
0x75: {  	(tag) =	ssettag $0x2  }
0x76: {  	s0 =	rddreg [dreg:$0x0];
	s2 =	stileid.u32  }
0x77: {  	s1 =	rddreg [dreg:$0x1];
	p0 =	sne.s32 s2, $0x0  }
0x78: {  	s3 =	rddreg [dreg:$0x2];
	[bflag:$0x3] =	sbarrier.arrive $0xFFFF;
	s2 =	simm.s32 @!p0 $0x1C01  }
0x79: {  	[timem:s3], [sflag:s2] =	dma.local @!p0 [hbm:s0], s1  }
0x7a: {  	s0 =	simm.s32 @!p0 $0x1  }
0x7b: {  	_ =	swait.ge @!p0 [sflag:s0], s1  }
0x7c: {  	s1 =	ssub.s32 @!p0 $0x0, s1;
	[sflag:s0] =	ssyncset.done @!p0 $0x0  }
0x7d: {  	[sflag:s0] =	ssyncadd.s32 @!p0 s1  }
0x7e: {  	[bflag:$0x3] =	sbarrier.arrive $0xFFFF  }
0x7f: {  	_ =	shalt  }

// kernel: sparse-core-data-format-call.cloned.1.call-start
scs
called_computation_lowered:
.L_overlay_start_0:
0x0: {  	s2 =	sld [smem:$0x3FD9]  }
0x1: {  	s3 =	sld [smem:$0x3FFE];
	_ =	sdelay $0x1  }
0x2: {  	s1 =	srdreg.scid  }
0x3: {  	s0 =	sand.u32 $0x1, s1  }
0x4: {  	s18 =	sshll.u32 s0, $0xA;
	s2 =	sadd.s32 s3, s2  }
0x5: {  	s2 =	sadd.s32 s2, s18  }
0x6: {  	[smem:$0x3FC6] =	sst s2  }
0x7: {  	_ = 	snop  }
0x8: {  	s2 =	sld [smem:$0x3FD0];
	(tm) =	ssettm $0x1  }
0x9: {  	s19 =	sld [smem:$0x3FFB];
	_ =	sdelay $0x3  }
0xa: {  	_ =	strace s19  }
0xb: {  	s3 =	sld [smem:$0x3FFC];
	_ =	sdelay $0x3  }
0xc: {  	_ =	strace s3  }
0xd: {  	s3 =	sld [smem:$0x3FFD];
	_ =	sdelay $0x3  }
0xe: {  	_ =	strace s3  }
0xf: {  	_ =	strace $0x8FFFFFFF  }
0x10: {  	s20 =	sld [smem:$0x3FDB];
	_ =	sdelay $0x1  }
0x11: {  	s4 =	simm.s32 $_scs_section_size  }
0x12: {  	s5 =	simm.s32 $_size__tile_overlayer_lowered;
	s6 =	simm.s32 $_tile_overlayer_lowered  }
0x13: {  	s23 =	simm.s32 $0x1BFF;
	s22 =	sshll.u32 s6, $0x1;
	s3 =	sadd.s32 s4, s20  }
0x14: {  	s7 =	simm.s32 $0x0;
	s21 =	sshll.u32 s5, $0x1;
	s5 =	sadd.s32 s22, s3  }
0x15: {  	[timem:s7], [sflag:s23] =	dma.local [hbm:s5], s21  }
0x16: {  	_ =	swait.ge [sflag:s23], s21  }
0x17: {  	s4 =	ssub.s32 $0x0, s21;
	[sflag:s23] =	ssyncset.done $0x0  }
0x18: {  	[sflag:s23] =	ssyncadd.s32 s4;
	_ =	sdelay $0x1  }
0x19: {  	s24 =	simm.s32 $0x1B8B  }
0x1a: {  	_ =	swait.ge [sflag:s24], $0x1  }
0x1b: {  	[sflag:s24] =	ssyncset.done $0x0  }
0x1c: {  	s26 =	simm.s32 $0x1B8E;
	s25 =	sld [smem:$0x3FFE];
	[sflag:s24] =	ssyncadd.s32 $0xFFFFFFFF  }
0x1d: {  	s27 =	simm.s32 $execute0_lowered;
	[smem:$0x3FD2] =	sst s26  }
0x1e: {  	s5 =	sshll.u32 s27, $0x1;
	_ =	strace $0x80000050;
	[dreg:$0x1] =	wrdreg $0xFFFFFFFF  }
0x1f: {  	s28 =	simm.s32 $_size_execute0_lowered;
	s3 =	sadd.s32 s3, s5;
	[dreg:$0x0] =	wrdreg $0x0  }
0x20: {  	s5 =	sshll.u32 s28, $0x1;
	[dreg:$0x2] =	wrdreg s3  }
0x21: {  	[dreg:$0x3] =	wrdreg s5  }
0x22: {  	[dreg:$0x4] =	wrdreg $0xC0  }
0x23: {  	_ =	task [dreg:s7], $0x5FFFF  }
0x24: {  	[dreg:$0x1] =	wrdreg $0xFFFFFFFF  }
0x25: {  	[dreg:$0x0] =	wrdreg $0x60  }
0x26: {  	[dreg:$0x2] =	wrdreg s25  }
0x27: {  	[dreg:$0x3] =	wrdreg s2  }
0x28: {  	[dreg:$0x4] =	wrdreg $0x9  }
0x29: {  	_ =	task.clear_ibuf [dreg:s7], $0x5FFFF;
	_ =	strace $0x90000050  }
0x2a: {  	s29 =	simm.s32 $0x9;
	_ =	strace $0x80000052  }
0x2b: {  	_ =	swait.ge [sflag:s29], $0x1  }
0x2c: {  	[sflag:s29] =	ssyncadd.s32 $0xFFFFFFFF  }
0x2d: {  	_ =	strace $0x90000052  }
0x2e: {  	_ =	sfence  }
0x2f: {  	s30 =	sld [smem:$0x0];
	_ =	sdelay $0x2  }
0x30: {  	s31 =	sshll.u32 s1, $0xD;
	s1 =	sshrl.u32 s1, $0x2  }
0x31: {  	s3 =	sand.u32 $0x4000, s31;
	s1 =	sadd.s32 s1, s30  }
0x32: {  	s0 =	sor.u32 s3, s0;
	s1 =	sshll.u32 s1, $0x11  }
0x33: {  	s0 =	sor.u32 s1, s0  }
0x34: {  	s0 =	sadd.s32 $0x8F2B, s0  }
0x35: {  	[sflag:s0] =	ssyncadd.remote.s32 $0x1  }
0x36: {  	_ =	sfence.sel $0xFFFF  }
0x37: {  	[dreg:$0x0] =	wrdreg $0xFFFFFFFF;
	(pc) =	sbr.abs _section_cstart, $3  }
0x38: {  	[dreg:$0x1] =	wrdreg $0xFFFFFFFF  }
0x39: {  	_ =	task.clear_ibuf [dreg:s7], $0x2FFFF;
	_ =	strace $0x9FFFFFFF  }
0x3a: {  	(tm) =	ssettm $0x7FFFFFFF  }
0x3b: {  	_ =	shalt  }
tec
execute0_lowered:
.L_overlay_start_1:
0x0: {  	(tag) =	ssettag $0x1  }
0x1: {  	s0 =	srdreg.scid  }
0x2: {  	s1 =	sshll.u32 s0, $0x4  }
0x3: {  	s0 =	stileid.u32;
	s1 =	sand.u32 $0x10, s1  }
0x4: {  	s1 =	sor.u32 s0, s1  }
0x5: {  	s6 =	rddreg [dreg:$0x0];
	s4 =	simm.s32 $0x1;
	s2 =	sshll.u32 s1, $0x7  }
0x6: {  	s7 =	simm.s32 $0x2;
	s12 =	simm.s32 $0x0;
	s1 =	ssub.s32 $0x1000, s2  }
0x7: {  	s8 =	simm.s32 $0x8000;
	s13 =	simm.s32 $0x0;
	s3 =	sand.u32 $0xF80, s1  }
0x8: {  	s9 =	simm.s32 $0x0;
	s5 =	sshrl.u32 s1, $0xC;
	p0 =	sne.s32 s3, $0x0  }
.Ltmp0:
0x9: {  	s1 =	rddreg [dreg:$0x2];
	s4 =	simm.s32 @!p0 $0x0;
	(pc) =	sbr.rel .LBB1_1-.Ltmp0, $4  }
0xa: {  	s11 =	simm.s32 $0x0;
	s3 =	rddreg [dreg:$0x1];
	s5 =	sadd.s32 s4, s5  }
0xb: {  	_ =	strace $0x80000051;
	s4 =	simm.s32 $0x1;
	s5 =	smul.u32 $0xC8, s5  }
0xc: {  	s6 =	sadd.s32 $0xA00, s6;
	s10 =	smov.u32 s2;
	[sflag:s4] =	ssyncpa.u1 $0x0  }
0xd: {  	p0 =	por $0x0, $0x0;
	[sflag:s7] =	ssyncpa.u1 $0x0;
	s7 =	sor.u32 $0x1, s5  }
.LBB1_4:
0xe: {  	s16 =	sshll.u32 s13, $0x3;
	s17 =	sand.u32 $0x78, s13  }
0xf: {  	s30 =	sand.u32 $0x7E00, s13;
	s12 =	sshll.u32 s12, $0xF;
	s16 =	sand.u32 $0xC00, s16  }
0x10: {  	[tilespmem:s15+$0x810 ss:$0x81] =	vst.msk $0xffff, v2;
	s31 =	sand.u32 $0x7, s13;
	s16 =	sor.u32 s17, s16;
	s17 =	sadd.s32 s3, s30  }
0x11: {  	[tilespmem:s15+$0x1020 ss:$0x81] =	vst.msk $0xffff, v0;
	s13 =	sshll.u32 s31, $0x12;
	s12 =	sadd.s32 s12, s17;
	s16 =	sshrl.u32 s16, $0x3  }
0x12: {  	[tilespmem:s15+$0x0 ss:$0x81] =	vst.msk $0xffff, v1;
	s13 =	sor.u32 $0x400, s13;
	s12 =	sadd.s32 s16, s12  }
0x13: {  	[hbm4b:s12+s13] =	stream.strided.scatter [tilespmem:s14], [sflag:$0x2], $0x2000, s8, s13, $0x20;
	[tilespmem:$0x8080] =	vst v63  }
.LBB1_5:
0x14: {  	s14 =	sadd.s32 $0x1, s9  }
0x15: {  	s12 =	sadd.s32 $0x1000, s10;
	s16 =	smov.u32 s10;
	p2 =	sgt.s32 s14, $0xC7  }
0x16: {  	s16 =	smov.u32 @p2 s12  }
0x17: {  	s14 =	simm.s32 @p2 $0x0;
	p2 =	sgt.s32 s16, $0xFFF  }
0x18: {  	s16 =	smov.u32 @p2 s2;
	p2 =	sne.s32 s11, s7  }
.Ltmp1:
0x19: {  	p1 =	slt.u32 s11, $0x2;
	(pc) =	sbr.rel @!p2 .LBB1_6-.Ltmp1, $4  }
0x1a: {  	s15 =	simm.s32 @!p1 $0x2  }
0x1b: {  	s13 =	smov.u32 s10;
	p0 =	por !p0, !p0;
	_ =	swait.ge @!p1 [sflag:s15], $0x2000  }
0x1c: {  	s12 =	smov.u32 s9;
	[sflag:s15] =	ssyncset.done @!p1 $0x0;
	s9 =	smov.u32 s14  }
0x1d: {  	s11 =	sadd.s32 $0x1, s11;
	[sflag:s15] =	ssyncadd.s32 @!p1 $0xFFFFE000;
	s10 =	smov.u32 s16  }
.LBB1_1:
0x1e: {  	p1 =	sge.u32 s11, s5  }
0x1f: {  	s14 =	sand.u32 @!p1 $0x1FFFFFF, s9  }
0x20: {  	s15 =	smulhi.u32 @!p1 $0x147AE15, s14;
	_ =	sdelay $0x1  }
0x21: {  	s15 =	smul.u32 @!p1 $0xC8, s15  }
0x22: {  	s16 =	sxor.u32 @!p1 $0xFFFFFFFF, s11;
	s17 =	smul.u32 @!p1 $0xC80, s10  }
0x23: {  	s31 =	sadd.s32 $0xFFFFFFFF, s11;
	s16 =	sshll.u32 @!p1 s16, $0xD;
	s14 =	ssub.s32 @!p1 s14, s15  }
0x24: {  	s15 =	sand.u32 @!p1 $0x2000, s16;
	s16 =	sadd.s32 @!p1 s6, s17;
	s14 =	sshll.u32 @!p1 s14, $0x4  }
0x25: {  	s17 =	simm.s32 @!p1 $0x6400;
	s14 =	sadd.s32 @!p1 s14, s16;
	s16 =	simm.s32 @!p1 $0x40  }
0x26: {  	[tilespmem:s15], [sflag:$0x1] =	stream.strided.gather @!p1 [hbm4b:s14+s16], $0x2000, s17, s16, $0x38;
	[tilespmem:$0x8080] =	vst v63  }
0x27: {  	p1 =	sge.u32 s31, s5  }
.Ltmp2:
0x28: {  	_ = 	snop;
	(pc) =	sbr.rel @p1 .LBB1_5-.Ltmp2, $1  }
0x29: {  	_ =	sdelay $0x3  }
0x2a: {  	s14 =	simm.s32 $0x1  }
0x2b: {  	_ =	swait.ge [sflag:s4], $0x2000;
	s14 =	simm.s32 @!p0 $0x0  }
0x2c: {  	[sflag:s4] =	ssyncset.done $0x0;
	s15 =	sshll.u32 s14, $0xD  }
0x2d: {  	[sflag:s4] =	ssyncadd.s32 $0xFFFFE000;
	s18 =	sor.u32 $0x20, s15  }
0x2e: {  	s14 =	smul.u32 $0x8100, s14;
	v3 =	vld [tilespmem:s18+$0x10]  }
0x2f: {  	s30 =	sand.u32 $0x1, s11;
	v2 =	vld [tilespmem:s18+$0xFFFFFFF0]  }
0x30: {  	s15 =	smul.u32 $0x8100, s30;
	s14 =	sshrl.u32 s14, $0x2;
	v0 =	vld [tilespmem:s18+$0x0]  }
0x31: {  	v1 =	vld [tilespmem:s18+$0xFFFFFFE0];
	s16 =	sor.u32 $0x4000, s14  }
0x32: {  	s31 =	sshrl.u32 s15, $0x2;
	s15 =	sadd.s32 $0x0, s16  }
0x33: {  	s17 =	simm.s32 $0x4;
	s18 =	sadd.s32 $0x40, s18;
	s14 =	sor.u32 $0x4000, s31;
	[tilespmem:s15+$0x1830 ss:$0x81] =	vst.msk $0xffff, v3  }
.LBB1_3:
0x34: {  	v3 =	vld [tilespmem:s18+$0x10];
	p1 =	sne.s32 s17, $0x1FC;
	[tilespmem:s15+$0x810 ss:$0x81] =	vst.msk $0xffff, v2;
	s19 =	smov.u32 s17;
	s17 =	sadd.s32 $0x4, s17  }
.Ltmp3:
0x35: {  	v2 =	vld [tilespmem:s18+$0xFFFFFFF0];
	[tilespmem:s15+$0x1020 ss:$0x81] =	vst.msk $0xffff, v0;
	(pc) =	sbr.rel @p1 .LBB1_3-.Ltmp3, $4  }
0x36: {  	v0 =	vld [tilespmem:s18+$0x0];
	[tilespmem:s15+$0x0 ss:$0x81] =	vst.msk $0xffff, v1  }
0x37: {  	s15 =	sshra.s32 s19, $0x2;
	v1 =	vld [tilespmem:s18+$0xFFFFFFE0]  }
0x38: {  	s15 =	sadd.s32 s15, s16  }
0x39: {  	s18 =	sadd.s32 $0x40, s18;
	[tilespmem:s15+$0x1830 ss:$0x81] =	vst.msk $0xffff, v3  }
.Ltmp4:
0x3a: {  	_ = 	snop;
	(pc) =	sbr.rel .LBB1_4-.Ltmp4, $1  }
0x3b: {  	_ =	sdelay $0x3  }
.LBB1_6:
0x3c: {  	_ =	sfence.sel $0x180000  }
0x3d: {  	s2 =	simm.s32 $0x1;
	[bflag:$0x0] =	sbarrier.arrive $0xFFFF  }
0x3e: {  	s31 =	simm.s32 $0x2;
	[sflag:s2] =	ssyncpa.u1 $0x1  }
0x3f: {  	[sflag:s31] =	ssyncpa.u1 $0x1  }
0x40: {  	p0 =	sne.s32 s0, $0x0;
	_ =	strace $0x90000051  }
0x41: {  	s0 =	sadd.s32 @!p0 $0x100000, s1;
	[bflag:$0x2] =	sbarrier.arrive $0xFFFF  }
0x42: {  	[sflag:s0] =	ssyncadd.tile.s32 @!p0 $0x1;
	_ =	shalt  }
.Lfunc_end1:
_tile_overlayer_lowered:
.L_overlay_start_2:
0x43: {  	(tag) =	ssettag $0x2  }
0x44: {  	s0 =	rddreg [dreg:$0x0];
	s2 =	stileid.u32  }
0x45: {  	s1 =	rddreg [dreg:$0x1];
	p0 =	sne.s32 s2, $0x0  }
0x46: {  	s3 =	rddreg [dreg:$0x2];
	[bflag:$0x3] =	sbarrier.arrive $0xFFFF;
	s2 =	simm.s32 @!p0 $0x1C01  }
0x47: {  	[timem:s3], [sflag:s2] =	dma.local @!p0 [hbm:s0], s1  }
0x48: {  	s0 =	simm.s32 @!p0 $0x1  }
0x49: {  	_ =	swait.ge @!p0 [sflag:s0], s1  }
0x4a: {  	s1 =	ssub.s32 @!p0 $0x0, s1;
	[sflag:s0] =	ssyncset.done @!p0 $0x0  }
0x4b: {  	[sflag:s0] =	ssyncadd.s32 @!p0 s1  }
0x4c: {  	[bflag:$0x3] =	sbarrier.arrive $0xFFFF  }
0x4d: {  	_ =	shalt  }

</sc_bundles>
